<compile_context>
chip_gen: v7x
topology: tpu7x:2x2x1
jax: 0.10.2.dev20260603
libtpu: 0.0.44.dev20260713+nightly
codegen_flags: <defaults>
</compile_context>

<pallas_src>
import jax
import jax.numpy as jnp
from jax import lax
from jax.experimental import pallas as pl
from jax.experimental.pallas import tpu as pltpu
from jax.experimental.pallas import tpu_sc as plsc

B, L, V = 16384, 200, 40
NC, NS, LANES = 2, 16, 16
NW = NC * NS
ROWS_PER_W = B // NW
GROUPS = ROWS_PER_W // LANES
HIST_STRIDE = 65
POS_UNROLL = 8

_BIG = 1e30


def _body(x_hbm, out_hbm, xv, hist, outv):
    wid = lax.axis_index("s") * NC + lax.axis_index("c")
    row0 = wid * ROWS_PER_W
    pltpu.sync_copy(x_hbm.at[pl.ds(0, L), pl.ds(row0, ROWS_PER_W)], xv)

    lane = lax.broadcasted_iota(jnp.int32, (LANES,), 0)
    lane_h = lane * HIST_STRIDE
    ones = jnp.ones((LANES,), jnp.float32)
    zf = jnp.zeros((LANES,), jnp.float32)

    for k in range(HIST_STRIDE):
        hist[pl.ds(k * LANES, LANES)] = zf

    def group_body(g, carry):
        cols = lane + g * LANES

        @plsc.parallel_loop(0, L, unroll=POS_UNROLL)
        def _pos(p):
            ch = plsc.load_gather(xv, [jnp.full((LANES,), p, jnp.int32), cols])
            plsc.addupdate_scatter(hist, [lane_h + ch], ones)

        if True:
            return carry
        lt = zf
        dg = zf
        sp = zf
        uq = zf
        mx = zf
        mn = jnp.full((LANES,), _BIG, jnp.float32)
        for v in range(1, V):
            iv = lane_h + v
            hv = plsc.load_gather(hist, [iv])
            plsc.store_scatter(hist, [iv], zf)
            if v < 27:
                lt = lt + hv
            elif v < 37:
                dg = dg + hv
            else:
                sp = sp + hv
            uq = uq + jnp.minimum(hv, ones)
            mx = jnp.maximum(mx, hv)
            mn = jnp.minimum(mn, jnp.where(hv > 0.0, hv, _BIG))
        plsc.store_scatter(hist, [lane_h], zf)

        total = lt + dg + sp
        has = total > 0.0
        rec = 1.0 / jnp.where(has, total, 1.0)
        feats = (
            uq * jnp.float32(1.0 / V),
            mx * rec,
            jnp.where(has, mn, 0.0) * rec,
            lt * rec,
            dg * rec,
            sp * rec,
        )
        for fi, val in enumerate(feats):
            outv[fi, pl.ds(g * LANES, LANES)] = val
        return carry

    lax.fori_loop(0, GROUPS, group_body, 0)
    pltpu.sync_copy(outv, out_hbm.at[pl.ds(0, 6), pl.ds(row0, ROWS_PER_W)])


@jax.jit
def _analyze(x):
    mesh = plsc.VectorSubcoreMesh(core_axis_name="c", subcore_axis_name="s")
    out = pl.kernel(
        _body,
        out_type=jax.ShapeDtypeStruct((8, B), jnp.float32),
        mesh=mesh,
        scratch_types=[
            pltpu.VMEM((L, ROWS_PER_W), jnp.int32),
            pltpu.VMEM((LANES * HIST_STRIDE,), jnp.float32),
            pltpu.VMEM((6, ROWS_PER_W), jnp.float32),
        ],
        compiler_params=pltpu.CompilerParams(
            use_tc_tiling_on_sc=True, needs_layout_passes=False),
    )(x.T)
    return out[:6].T


def kernel(x):
    return _analyze(x)

# --- scband reference (transcript-rebuilt; emitter-appended) ---
"""Pipeline reference for scband-char-distribution-analyzer-23957327577718 (READ-ONLY COPY).

The authoritative reference and input builder live on the scoring server;
editing this copy changes nothing except your own understanding.
"""

import jax, jax.numpy as jnp
import numpy as np

B, L, V = 16384, 200, 40

def setup_inputs(seed: int = 0) -> dict:
    key = jax.random.key(seed)
    x = jax.random.randint(key, (B, L), 0, V, dtype=jnp.int32)
    return {"x": x}

def reference(x):
    # Vectorized, faithful translation of the per-row loop:
    # per-row bincount over non-zero (valid) chars, then 6 distribution features.
    Bv, Lv = x.shape
    Vv = V
    mask = (x != 0).astype(jnp.float32)
    rows = jnp.broadcast_to(jnp.arange(Bv)[:, None], (Bv, Lv))
    # scatter-add histogram: counts[b, v] = #{positions where x[b,:]==v and v!=0}
    counts = jnp.zeros((Bv, Vv), jnp.float32).at[rows, x].add(mask)
    total = counts.sum(axis=-1)
    safe_total = jnp.where(total > 0, total, 1.0)
    probs = counts / safe_total[:, None]
    unique_chars = (counts > 0).sum(axis=-1).astype(jnp.float32)
    max_freq = probs.max(axis=-1)
    pos_probs = jnp.where(probs > 0, probs, jnp.inf)
    min_freq = pos_probs.min(axis=-1)
    min_freq = jnp.where(jnp.isinf(min_freq), 0.0, min_freq)
    letter_ratio = probs[:, 1:27].sum(axis=-1)
    digit_ratio = probs[:, 27:37].sum(axis=-1)
    special_ratio = probs[:, 37:].sum(axis=-1)
    feats = jnp.stack([
        unique_chars / Vv,
        max_freq,
        min_freq,
        letter_ratio,
        digit_ratio,
        special_ratio,
    ], axis=-1)
    # rows with no valid (non-zero) chars -> all-zero features, matching torch branch
    feats = jnp.where((total > 0)[:, None], feats, 0.0)
    return feats

if __name__ == "__main__":
    import jax
    _d = setup_inputs()
    print(jax.jit(kernel)(*tuple(_d.values())))

</pallas_src>

<mosaic_0001>
#map = affine_map<(d0, d1) -> (0, 0)>
module attributes {stable_mosaic.version = 14 : i64} {
  func.func @_body(%arg0: i32, %arg1: i32, %arg2: memref<200x16384xi32, #tpu.memory_space<hbm>>, %arg3: memref<8x16384xf32, #tpu.memory_space<hbm>>, %arg4: memref<200x512xi32, #tpu.memory_space<vmem>>, %arg5: memref<1040xf32, #tpu.memory_space<vmem>>, %arg6: memref<6x512xf32, #tpu.memory_space<vmem>>) attributes {dimension_semantics = [#tpu.dimension_semantics<core_parallel>, #tpu.dimension_semantics<subcore_parallel>], iteration_bounds = array<i64: 2, 16>, scalar_prefetch = 0 : i64, scratch_operands = 3 : i64, tpu.core_type = #tpu.core_type<sc_vector_subcore>, window_params = [{transform_indices = #map}, {transform_indices = #map}]} {
    %mul3A = arith.constant 2 : i32
    %mul3A_0 = arith.muli %arg1, %mul3A : i32
    %add3A = arith.addi %mul3A_0, %arg0 : i32
    %mul3A_1 = arith.constant 512 : i32
    %mul3A_2 = arith.muli %add3A, %mul3A_1 : i32
    "tpu.region"() ({
      %run_scoped3A = tpu.sem_alloc : memref<!tpu.dma_semaphore, #tpu.memory_space<semaphore_mem>>
      %dma_start3A = arith.constant 0 : i32
      %dma_start3A_143 = tpu.memref_slice %arg2[%dma_start3A, %mul3A_2] : memref<200x16384xi32, #tpu.memory_space<hbm>> -> memref<200x512xi32, #tpu.memory_space<hbm>>
      %dma_start3A_144 = arith.constant 0 : i32
      %dma_start3A_145 = tpu.memref_slice %arg2[%dma_start3A_144, %mul3A_2] : memref<200x16384xi32, #tpu.memory_space<hbm>> -> memref<200x512xi32, #tpu.memory_space<hbm>>
      tpu.enqueue_dma source(%dma_start3A_145 : memref<200x512xi32, #tpu.memory_space<hbm>>) target(%arg4 : memref<200x512xi32, #tpu.memory_space<vmem>>) target_semaphore(%run_scoped3A : memref<!tpu.dma_semaphore, #tpu.memory_space<semaphore_mem>>)
      %dma_wait3A = arith.constant 0 : i32
      %dma_wait3A_146 = tpu.memref_slice %arg2[%dma_wait3A, %mul3A_2] : memref<200x16384xi32, #tpu.memory_space<hbm>> -> memref<200x512xi32, #tpu.memory_space<hbm>>
      %dma_wait3A_147 = arith.constant 0 : i32
      %dma_wait3A_148 = tpu.memref_slice %arg2[%dma_wait3A_147, %mul3A_2] : memref<200x16384xi32, #tpu.memory_space<hbm>> -> memref<200x512xi32, #tpu.memory_space<hbm>>
      tpu.wait_dma2 semaphore(%run_scoped3A : memref<!tpu.dma_semaphore, #tpu.memory_space<semaphore_mem>>) src(%dma_wait3A_148 : memref<200x512xi32, #tpu.memory_space<hbm>>) dst(%arg4 : memref<200x512xi32, #tpu.memory_space<vmem>>)
      tpu.yield
    }) : () -> ()
    %iota3A = tpu.iota {dimensions = array<i32: 0>} : vector<16xi32>
    %mul3A_3 = arith.constant 65 : i32
    %mul3A_4 = vector.broadcast %mul3A_3 : i32 to vector<16xi32>
    %mul3A_5 = arith.muli %iota3A, %mul3A_4 : vector<16xi32>
    %broadcast_in_dim3A = arith.constant 1.000000e+00 : f32
    %broadcast_in_dim3A_6 = vector.broadcast %broadcast_in_dim3A : f32 to vector<16xf32>
    %broadcast_in_dim3A_7 = arith.constant 0.000000e+00 : f32
    %broadcast_in_dim3A_8 = vector.broadcast %broadcast_in_dim3A_7 : f32 to vector<16xf32>
    %swap3A = arith.constant 0 : index
    %swap3A_9 = tpu.vector_load %arg5[%swap3A] {strides = array<i32>} : memref<1040xf32, #tpu.memory_space<vmem>>, vector<16xf32>,
    tpu.vector_store %arg5[%swap3A], %broadcast_in_dim3A_8 {strides = array<i32>} : memref<1040xf32, #tpu.memory_space<vmem>>, vector<16xf32>,
    %swap3A_10 = arith.constant 16 : index
    %swap3A_11 = tpu.vector_load %arg5[%swap3A_10] {strides = array<i32>} : memref<1040xf32, #tpu.memory_space<vmem>>, vector<16xf32>,
    tpu.vector_store %arg5[%swap3A_10], %broadcast_in_dim3A_8 {strides = array<i32>} : memref<1040xf32, #tpu.memory_space<vmem>>, vector<16xf32>,
    %swap3A_12 = arith.constant 32 : index
    %swap3A_13 = tpu.vector_load %arg5[%swap3A_12] {strides = array<i32>} : memref<1040xf32, #tpu.memory_space<vmem>>, vector<16xf32>,
    tpu.vector_store %arg5[%swap3A_12], %broadcast_in_dim3A_8 {strides = array<i32>} : memref<1040xf32, #tpu.memory_space<vmem>>, vector<16xf32>,
    %swap3A_14 = arith.constant 48 : index
    %swap3A_15 = tpu.vector_load %arg5[%swap3A_14] {strides = array<i32>} : memref<1040xf32, #tpu.memory_space<vmem>>, vector<16xf32>,
    tpu.vector_store %arg5[%swap3A_14], %broadcast_in_dim3A_8 {strides = array<i32>} : memref<1040xf32, #tpu.memory_space<vmem>>, vector<16xf32>,
    %swap3A_16 = arith.constant 64 : index
    %swap3A_17 = tpu.vector_load %arg5[%swap3A_16] {strides = array<i32>} : memref<1040xf32, #tpu.memory_space<vmem>>, vector<16xf32>,
    tpu.vector_store %arg5[%swap3A_16], %broadcast_in_dim3A_8 {strides = array<i32>} : memref<1040xf32, #tpu.memory_space<vmem>>, vector<16xf32>,
    %swap3A_18 = arith.constant 80 : index
    %swap3A_19 = tpu.vector_load %arg5[%swap3A_18] {strides = array<i32>} : memref<1040xf32, #tpu.memory_space<vmem>>, vector<16xf32>,
    tpu.vector_store %arg5[%swap3A_18], %broadcast_in_dim3A_8 {strides = array<i32>} : memref<1040xf32, #tpu.memory_space<vmem>>, vector<16xf32>,
    %swap3A_20 = arith.constant 96 : index
    %swap3A_21 = tpu.vector_load %arg5[%swap3A_20] {strides = array<i32>} : memref<1040xf32, #tpu.memory_space<vmem>>, vector<16xf32>,
    tpu.vector_store %arg5[%swap3A_20], %broadcast_in_dim3A_8 {strides = array<i32>} : memref<1040xf32, #tpu.memory_space<vmem>>, vector<16xf32>,
    %swap3A_22 = arith.constant 112 : index
    %swap3A_23 = tpu.vector_load %arg5[%swap3A_22] {strides = array<i32>} : memref<1040xf32, #tpu.memory_space<vmem>>, vector<16xf32>,
    tpu.vector_store %arg5[%swap3A_22], %broadcast_in_dim3A_8 {strides = array<i32>} : memref<1040xf32, #tpu.memory_space<vmem>>, vector<16xf32>,
    %swap3A_24 = arith.constant 128 : index
    %swap3A_25 = tpu.vector_load %arg5[%swap3A_24] {strides = array<i32>} : memref<1040xf32, #tpu.memory_space<vmem>>, vector<16xf32>,
    tpu.vector_store %arg5[%swap3A_24], %broadcast_in_dim3A_8 {strides = array<i32>} : memref<1040xf32, #tpu.memory_space<vmem>>, vector<16xf32>,
    %swap3A_26 = arith.constant 144 : index
    %swap3A_27 = tpu.vector_load %arg5[%swap3A_26] {strides = array<i32>} : memref<1040xf32, #tpu.memory_space<vmem>>, vector<16xf32>,
    tpu.vector_store %arg5[%swap3A_26], %broadcast_in_dim3A_8 {strides = array<i32>} : memref<1040xf32, #tpu.memory_space<vmem>>, vector<16xf32>,
    %swap3A_28 = arith.constant 160 : index
    %swap3A_29 = tpu.vector_load %arg5[%swap3A_28] {strides = array<i32>} : memref<1040xf32, #tpu.memory_space<vmem>>, vector<16xf32>,
    tpu.vector_store %arg5[%swap3A_28], %broadcast_in_dim3A_8 {strides = array<i32>} : memref<1040xf32, #tpu.memory_space<vmem>>, vector<16xf32>,
    %swap3A_30 = arith.constant 176 : index
    %swap3A_31 = tpu.vector_load %arg5[%swap3A_30] {strides = array<i32>} : memref<1040xf32, #tpu.memory_space<vmem>>, vector<16xf32>,
    tpu.vector_store %arg5[%swap3A_30], %broadcast_in_dim3A_8 {strides = array<i32>} : memref<1040xf32, #tpu.memory_space<vmem>>, vector<16xf32>,
    %swap3A_32 = arith.constant 192 : index
    %swap3A_33 = tpu.vector_load %arg5[%swap3A_32] {strides = array<i32>} : memref<1040xf32, #tpu.memory_space<vmem>>, vector<16xf32>,
    tpu.vector_store %arg5[%swap3A_32], %broadcast_in_dim3A_8 {strides = array<i32>} : memref<1040xf32, #tpu.memory_space<vmem>>, vector<16xf32>,
    %swap3A_34 = arith.constant 208 : index
    %swap3A_35 = tpu.vector_load %arg5[%swap3A_34] {strides = array<i32>} : memref<1040xf32, #tpu.memory_space<vmem>>, vector<16xf32>,
    tpu.vector_store %arg5[%swap3A_34], %broadcast_in_dim3A_8 {strides = array<i32>} : memref<1040xf32, #tpu.memory_space<vmem>>, vector<16xf32>,
    %swap3A_36 = arith.constant 224 : index
    %swap3A_37 = tpu.vector_load %arg5[%swap3A_36] {strides = array<i32>} : memref<1040xf32, #tpu.memory_space<vmem>>, vector<16xf32>,
    tpu.vector_store %arg5[%swap3A_36], %broadcast_in_dim3A_8 {strides = array<i32>} : memref<1040xf32, #tpu.memory_space<vmem>>, vector<16xf32>,
    %swap3A_38 = arith.constant 240 : index
    %swap3A_39 = tpu.vector_load %arg5[%swap3A_38] {strides = array<i32>} : memref<1040xf32, #tpu.memory_space<vmem>>, vector<16xf32>,
    tpu.vector_store %arg5[%swap3A_38], %broadcast_in_dim3A_8 {strides = array<i32>} : memref<1040xf32, #tpu.memory_space<vmem>>, vector<16xf32>,
    %swap3A_40 = arith.constant 256 : index
    %swap3A_41 = tpu.vector_load %arg5[%swap3A_40] {strides = array<i32>} : memref<1040xf32, #tpu.memory_space<vmem>>, vector<16xf32>,
    tpu.vector_store %arg5[%swap3A_40], %broadcast_in_dim3A_8 {strides = array<i32>} : memref<1040xf32, #tpu.memory_space<vmem>>, vector<16xf32>,
    %swap3A_42 = arith.constant 272 : index
    %swap3A_43 = tpu.vector_load %arg5[%swap3A_42] {strides = array<i32>} : memref<1040xf32, #tpu.memory_space<vmem>>, vector<16xf32>,
    tpu.vector_store %arg5[%swap3A_42], %broadcast_in_dim3A_8 {strides = array<i32>} : memref<1040xf32, #tpu.memory_space<vmem>>, vector<16xf32>,
    %swap3A_44 = arith.constant 288 : index
    %swap3A_45 = tpu.vector_load %arg5[%swap3A_44] {strides = array<i32>} : memref<1040xf32, #tpu.memory_space<vmem>>, vector<16xf32>,
    tpu.vector_store %arg5[%swap3A_44], %broadcast_in_dim3A_8 {strides = array<i32>} : memref<1040xf32, #tpu.memory_space<vmem>>, vector<16xf32>,
    %swap3A_46 = arith.constant 304 : index
    %swap3A_47 = tpu.vector_load %arg5[%swap3A_46] {strides = array<i32>} : memref<1040xf32, #tpu.memory_space<vmem>>, vector<16xf32>,
    tpu.vector_store %arg5[%swap3A_46], %broadcast_in_dim3A_8 {strides = array<i32>} : memref<1040xf32, #tpu.memory_space<vmem>>, vector<16xf32>,
    %swap3A_48 = arith.constant 320 : index
    %swap3A_49 = tpu.vector_load %arg5[%swap3A_48] {strides = array<i32>} : memref<1040xf32, #tpu.memory_space<vmem>>, vector<16xf32>,
    tpu.vector_store %arg5[%swap3A_48], %broadcast_in_dim3A_8 {strides = array<i32>} : memref<1040xf32, #tpu.memory_space<vmem>>, vector<16xf32>,
    %swap3A_50 = arith.constant 336 : index
    %swap3A_51 = tpu.vector_load %arg5[%swap3A_50] {strides = array<i32>} : memref<1040xf32, #tpu.memory_space<vmem>>, vector<16xf32>,
    tpu.vector_store %arg5[%swap3A_50], %broadcast_in_dim3A_8 {strides = array<i32>} : memref<1040xf32, #tpu.memory_space<vmem>>, vector<16xf32>,
    %swap3A_52 = arith.constant 352 : index
    %swap3A_53 = tpu.vector_load %arg5[%swap3A_52] {strides = array<i32>} : memref<1040xf32, #tpu.memory_space<vmem>>, vector<16xf32>,
    tpu.vector_store %arg5[%swap3A_52], %broadcast_in_dim3A_8 {strides = array<i32>} : memref<1040xf32, #tpu.memory_space<vmem>>, vector<16xf32>,
    %swap3A_54 = arith.constant 368 : index
    %swap3A_55 = tpu.vector_load %arg5[%swap3A_54] {strides = array<i32>} : memref<1040xf32, #tpu.memory_space<vmem>>, vector<16xf32>,
    tpu.vector_store %arg5[%swap3A_54], %broadcast_in_dim3A_8 {strides = array<i32>} : memref<1040xf32, #tpu.memory_space<vmem>>, vector<16xf32>,
    %swap3A_56 = arith.constant 384 : index
    %swap3A_57 = tpu.vector_load %arg5[%swap3A_56] {strides = array<i32>} : memref<1040xf32, #tpu.memory_space<vmem>>, vector<16xf32>,
    tpu.vector_store %arg5[%swap3A_56], %broadcast_in_dim3A_8 {strides = array<i32>} : memref<1040xf32, #tpu.memory_space<vmem>>, vector<16xf32>,
    %swap3A_58 = arith.constant 400 : index
    %swap3A_59 = tpu.vector_load %arg5[%swap3A_58] {strides = array<i32>} : memref<1040xf32, #tpu.memory_space<vmem>>, vector<16xf32>,
    tpu.vector_store %arg5[%swap3A_58], %broadcast_in_dim3A_8 {strides = array<i32>} : memref<1040xf32, #tpu.memory_space<vmem>>, vector<16xf32>,
    %swap3A_60 = arith.constant 416 : index
    %swap3A_61 = tpu.vector_load %arg5[%swap3A_60] {strides = array<i32>} : memref<1040xf32, #tpu.memory_space<vmem>>, vector<16xf32>,
    tpu.vector_store %arg5[%swap3A_60], %broadcast_in_dim3A_8 {strides = array<i32>} : memref<1040xf32, #tpu.memory_space<vmem>>, vector<16xf32>,
    %swap3A_62 = arith.constant 432 : index
    %swap3A_63 = tpu.vector_load %arg5[%swap3A_62] {strides = array<i32>} : memref<1040xf32, #tpu.memory_space<vmem>>, vector<16xf32>,
    tpu.vector_store %arg5[%swap3A_62], %broadcast_in_dim3A_8 {strides = array<i32>} : memref<1040xf32, #tpu.memory_space<vmem>>, vector<16xf32>,
    %swap3A_64 = arith.constant 448 : index
    %swap3A_65 = tpu.vector_load %arg5[%swap3A_64] {strides = array<i32>} : memref<1040xf32, #tpu.memory_space<vmem>>, vector<16xf32>,
    tpu.vector_store %arg5[%swap3A_64], %broadcast_in_dim3A_8 {strides = array<i32>} : memref<1040xf32, #tpu.memory_space<vmem>>, vector<16xf32>,
    %swap3A_66 = arith.constant 464 : index
    %swap3A_67 = tpu.vector_load %arg5[%swap3A_66] {strides = array<i32>} : memref<1040xf32, #tpu.memory_space<vmem>>, vector<16xf32>,
    tpu.vector_store %arg5[%swap3A_66], %broadcast_in_dim3A_8 {strides = array<i32>} : memref<1040xf32, #tpu.memory_space<vmem>>, vector<16xf32>,
    %swap3A_68 = arith.constant 480 : index
    %swap3A_69 = tpu.vector_load %arg5[%swap3A_68] {strides = array<i32>} : memref<1040xf32, #tpu.memory_space<vmem>>, vector<16xf32>,
    tpu.vector_store %arg5[%swap3A_68], %broadcast_in_dim3A_8 {strides = array<i32>} : memref<1040xf32, #tpu.memory_space<vmem>>, vector<16xf32>,
    %swap3A_70 = arith.constant 496 : index
    %swap3A_71 = tpu.vector_load %arg5[%swap3A_70] {strides = array<i32>} : memref<1040xf32, #tpu.memory_space<vmem>>, vector<16xf32>,
    tpu.vector_store %arg5[%swap3A_70], %broadcast_in_dim3A_8 {strides = array<i32>} : memref<1040xf32, #tpu.memory_space<vmem>>, vector<16xf32>,
    %swap3A_72 = arith.constant 512 : index
    %swap3A_73 = tpu.vector_load %arg5[%swap3A_72] {strides = array<i32>} : memref<1040xf32, #tpu.memory_space<vmem>>, vector<16xf32>,
    tpu.vector_store %arg5[%swap3A_72], %broadcast_in_dim3A_8 {strides = array<i32>} : memref<1040xf32, #tpu.memory_space<vmem>>, vector<16xf32>,
    %swap3A_74 = arith.constant 528 : index
    %swap3A_75 = tpu.vector_load %arg5[%swap3A_74] {strides = array<i32>} : memref<1040xf32, #tpu.memory_space<vmem>>, vector<16xf32>,
    tpu.vector_store %arg5[%swap3A_74], %broadcast_in_dim3A_8 {strides = array<i32>} : memref<1040xf32, #tpu.memory_space<vmem>>, vector<16xf32>,
    %swap3A_76 = arith.constant 544 : index
    %swap3A_77 = tpu.vector_load %arg5[%swap3A_76] {strides = array<i32>} : memref<1040xf32, #tpu.memory_space<vmem>>, vector<16xf32>,
    tpu.vector_store %arg5[%swap3A_76], %broadcast_in_dim3A_8 {strides = array<i32>} : memref<1040xf32, #tpu.memory_space<vmem>>, vector<16xf32>,
    %swap3A_78 = arith.constant 560 : index
    %swap3A_79 = tpu.vector_load %arg5[%swap3A_78] {strides = array<i32>} : memref<1040xf32, #tpu.memory_space<vmem>>, vector<16xf32>,
    tpu.vector_store %arg5[%swap3A_78], %broadcast_in_dim3A_8 {strides = array<i32>} : memref<1040xf32, #tpu.memory_space<vmem>>, vector<16xf32>,
    %swap3A_80 = arith.constant 576 : index
    %swap3A_81 = tpu.vector_load %arg5[%swap3A_80] {strides = array<i32>} : memref<1040xf32, #tpu.memory_space<vmem>>, vector<16xf32>,
    tpu.vector_store %arg5[%swap3A_80], %broadcast_in_dim3A_8 {strides = array<i32>} : memref<1040xf32, #tpu.memory_space<vmem>>, vector<16xf32>,
    %swap3A_82 = arith.constant 592 : index
    %swap3A_83 = tpu.vector_load %arg5[%swap3A_82] {strides = array<i32>} : memref<1040xf32, #tpu.memory_space<vmem>>, vector<16xf32>,
    tpu.vector_store %arg5[%swap3A_82], %broadcast_in_dim3A_8 {strides = array<i32>} : memref<1040xf32, #tpu.memory_space<vmem>>, vector<16xf32>,
    %swap3A_84 = arith.constant 608 : index
    %swap3A_85 = tpu.vector_load %arg5[%swap3A_84] {strides = array<i32>} : memref<1040xf32, #tpu.memory_space<vmem>>, vector<16xf32>,
    tpu.vector_store %arg5[%swap3A_84], %broadcast_in_dim3A_8 {strides = array<i32>} : memref<1040xf32, #tpu.memory_space<vmem>>, vector<16xf32>,
    %swap3A_86 = arith.constant 624 : index
    %swap3A_87 = tpu.vector_load %arg5[%swap3A_86] {strides = array<i32>} : memref<1040xf32, #tpu.memory_space<vmem>>, vector<16xf32>,
    tpu.vector_store %arg5[%swap3A_86], %broadcast_in_dim3A_8 {strides = array<i32>} : memref<1040xf32, #tpu.memory_space<vmem>>, vector<16xf32>,
    %swap3A_88 = arith.constant 640 : index
    %swap3A_89 = tpu.vector_load %arg5[%swap3A_88] {strides = array<i32>} : memref<1040xf32, #tpu.memory_space<vmem>>, vector<16xf32>,
    tpu.vector_store %arg5[%swap3A_88], %broadcast_in_dim3A_8 {strides = array<i32>} : memref<1040xf32, #tpu.memory_space<vmem>>, vector<16xf32>,
    %swap3A_90 = arith.constant 656 : index
    %swap3A_91 = tpu.vector_load %arg5[%swap3A_90] {strides = array<i32>} : memref<1040xf32, #tpu.memory_space<vmem>>, vector<16xf32>,
    tpu.vector_store %arg5[%swap3A_90], %broadcast_in_dim3A_8 {strides = array<i32>} : memref<1040xf32, #tpu.memory_space<vmem>>, vector<16xf32>,
    %swap3A_92 = arith.constant 672 : index
    %swap3A_93 = tpu.vector_load %arg5[%swap3A_92] {strides = array<i32>} : memref<1040xf32, #tpu.memory_space<vmem>>, vector<16xf32>,
    tpu.vector_store %arg5[%swap3A_92], %broadcast_in_dim3A_8 {strides = array<i32>} : memref<1040xf32, #tpu.memory_space<vmem>>, vector<16xf32>,
    %swap3A_94 = arith.constant 688 : index
    %swap3A_95 = tpu.vector_load %arg5[%swap3A_94] {strides = array<i32>} : memref<1040xf32, #tpu.memory_space<vmem>>, vector<16xf32>,
    tpu.vector_store %arg5[%swap3A_94], %broadcast_in_dim3A_8 {strides = array<i32>} : memref<1040xf32, #tpu.memory_space<vmem>>, vector<16xf32>,
    %swap3A_96 = arith.constant 704 : index
    %swap3A_97 = tpu.vector_load %arg5[%swap3A_96] {strides = array<i32>} : memref<1040xf32, #tpu.memory_space<vmem>>, vector<16xf32>,
    tpu.vector_store %arg5[%swap3A_96], %broadcast_in_dim3A_8 {strides = array<i32>} : memref<1040xf32, #tpu.memory_space<vmem>>, vector<16xf32>,
    %swap3A_98 = arith.constant 720 : index
    %swap3A_99 = tpu.vector_load %arg5[%swap3A_98] {strides = array<i32>} : memref<1040xf32, #tpu.memory_space<vmem>>, vector<16xf32>,
    tpu.vector_store %arg5[%swap3A_98], %broadcast_in_dim3A_8 {strides = array<i32>} : memref<1040xf32, #tpu.memory_space<vmem>>, vector<16xf32>,
    %swap3A_100 = arith.constant 736 : index
    %swap3A_101 = tpu.vector_load %arg5[%swap3A_100] {strides = array<i32>} : memref<1040xf32, #tpu.memory_space<vmem>>, vector<16xf32>,
    tpu.vector_store %arg5[%swap3A_100], %broadcast_in_dim3A_8 {strides = array<i32>} : memref<1040xf32, #tpu.memory_space<vmem>>, vector<16xf32>,
    %swap3A_102 = arith.constant 752 : index
    %swap3A_103 = tpu.vector_load %arg5[%swap3A_102] {strides = array<i32>} : memref<1040xf32, #tpu.memory_space<vmem>>, vector<16xf32>,
    tpu.vector_store %arg5[%swap3A_102], %broadcast_in_dim3A_8 {strides = array<i32>} : memref<1040xf32, #tpu.memory_space<vmem>>, vector<16xf32>,
    %swap3A_104 = arith.constant 768 : index
    %swap3A_105 = tpu.vector_load %arg5[%swap3A_104] {strides = array<i32>} : memref<1040xf32, #tpu.memory_space<vmem>>, vector<16xf32>,
    tpu.vector_store %arg5[%swap3A_104], %broadcast_in_dim3A_8 {strides = array<i32>} : memref<1040xf32, #tpu.memory_space<vmem>>, vector<16xf32>,
    %swap3A_106 = arith.constant 784 : index
    %swap3A_107 = tpu.vector_load %arg5[%swap3A_106] {strides = array<i32>} : memref<1040xf32, #tpu.memory_space<vmem>>, vector<16xf32>,
    tpu.vector_store %arg5[%swap3A_106], %broadcast_in_dim3A_8 {strides = array<i32>} : memref<1040xf32, #tpu.memory_space<vmem>>, vector<16xf32>,
    %swap3A_108 = arith.constant 800 : index
    %swap3A_109 = tpu.vector_load %arg5[%swap3A_108] {strides = array<i32>} : memref<1040xf32, #tpu.memory_space<vmem>>, vector<16xf32>,
    tpu.vector_store %arg5[%swap3A_108], %broadcast_in_dim3A_8 {strides = array<i32>} : memref<1040xf32, #tpu.memory_space<vmem>>, vector<16xf32>,
    %swap3A_110 = arith.constant 816 : index
    %swap3A_111 = tpu.vector_load %arg5[%swap3A_110] {strides = array<i32>} : memref<1040xf32, #tpu.memory_space<vmem>>, vector<16xf32>,
    tpu.vector_store %arg5[%swap3A_110], %broadcast_in_dim3A_8 {strides = array<i32>} : memref<1040xf32, #tpu.memory_space<vmem>>, vector<16xf32>,
    %swap3A_112 = arith.constant 832 : index
    %swap3A_113 = tpu.vector_load %arg5[%swap3A_112] {strides = array<i32>} : memref<1040xf32, #tpu.memory_space<vmem>>, vector<16xf32>,
    tpu.vector_store %arg5[%swap3A_112], %broadcast_in_dim3A_8 {strides = array<i32>} : memref<1040xf32, #tpu.memory_space<vmem>>, vector<16xf32>,
    %swap3A_114 = arith.constant 848 : index
    %swap3A_115 = tpu.vector_load %arg5[%swap3A_114] {strides = array<i32>} : memref<1040xf32, #tpu.memory_space<vmem>>, vector<16xf32>,
    tpu.vector_store %arg5[%swap3A_114], %broadcast_in_dim3A_8 {strides = array<i32>} : memref<1040xf32, #tpu.memory_space<vmem>>, vector<16xf32>,
    %swap3A_116 = arith.constant 864 : index
    %swap3A_117 = tpu.vector_load %arg5[%swap3A_116] {strides = array<i32>} : memref<1040xf32, #tpu.memory_space<vmem>>, vector<16xf32>,
    tpu.vector_store %arg5[%swap3A_116], %broadcast_in_dim3A_8 {strides = array<i32>} : memref<1040xf32, #tpu.memory_space<vmem>>, vector<16xf32>,
    %swap3A_118 = arith.constant 880 : index
    %swap3A_119 = tpu.vector_load %arg5[%swap3A_118] {strides = array<i32>} : memref<1040xf32, #tpu.memory_space<vmem>>, vector<16xf32>,
    tpu.vector_store %arg5[%swap3A_118], %broadcast_in_dim3A_8 {strides = array<i32>} : memref<1040xf32, #tpu.memory_space<vmem>>, vector<16xf32>,
    %swap3A_120 = arith.constant 896 : index
    %swap3A_121 = tpu.vector_load %arg5[%swap3A_120] {strides = array<i32>} : memref<1040xf32, #tpu.memory_space<vmem>>, vector<16xf32>,
    tpu.vector_store %arg5[%swap3A_120], %broadcast_in_dim3A_8 {strides = array<i32>} : memref<1040xf32, #tpu.memory_space<vmem>>, vector<16xf32>,
    %swap3A_122 = arith.constant 912 : index
    %swap3A_123 = tpu.vector_load %arg5[%swap3A_122] {strides = array<i32>} : memref<1040xf32, #tpu.memory_space<vmem>>, vector<16xf32>,
    tpu.vector_store %arg5[%swap3A_122], %broadcast_in_dim3A_8 {strides = array<i32>} : memref<1040xf32, #tpu.memory_space<vmem>>, vector<16xf32>,
    %swap3A_124 = arith.constant 928 : index
    %swap3A_125 = tpu.vector_load %arg5[%swap3A_124] {strides = array<i32>} : memref<1040xf32, #tpu.memory_space<vmem>>, vector<16xf32>,
    tpu.vector_store %arg5[%swap3A_124], %broadcast_in_dim3A_8 {strides = array<i32>} : memref<1040xf32, #tpu.memory_space<vmem>>, vector<16xf32>,
    %swap3A_126 = arith.constant 944 : index
    %swap3A_127 = tpu.vector_load %arg5[%swap3A_126] {strides = array<i32>} : memref<1040xf32, #tpu.memory_space<vmem>>, vector<16xf32>,
    tpu.vector_store %arg5[%swap3A_126], %broadcast_in_dim3A_8 {strides = array<i32>} : memref<1040xf32, #tpu.memory_space<vmem>>, vector<16xf32>,
    %swap3A_128 = arith.constant 960 : index
    %swap3A_129 = tpu.vector_load %arg5[%swap3A_128] {strides = array<i32>} : memref<1040xf32, #tpu.memory_space<vmem>>, vector<16xf32>,
    tpu.vector_store %arg5[%swap3A_128], %broadcast_in_dim3A_8 {strides = array<i32>} : memref<1040xf32, #tpu.memory_space<vmem>>, vector<16xf32>,
    %swap3A_130 = arith.constant 976 : index
    %swap3A_131 = tpu.vector_load %arg5[%swap3A_130] {strides = array<i32>} : memref<1040xf32, #tpu.memory_space<vmem>>, vector<16xf32>,
    tpu.vector_store %arg5[%swap3A_130], %broadcast_in_dim3A_8 {strides = array<i32>} : memref<1040xf32, #tpu.memory_space<vmem>>, vector<16xf32>,
    %swap3A_132 = arith.constant 992 : index
    %swap3A_133 = tpu.vector_load %arg5[%swap3A_132] {strides = array<i32>} : memref<1040xf32, #tpu.memory_space<vmem>>, vector<16xf32>,
    tpu.vector_store %arg5[%swap3A_132], %broadcast_in_dim3A_8 {strides = array<i32>} : memref<1040xf32, #tpu.memory_space<vmem>>, vector<16xf32>,
    %swap3A_134 = arith.constant 1008 : index
    %swap3A_135 = tpu.vector_load %arg5[%swap3A_134] {strides = array<i32>} : memref<1040xf32, #tpu.memory_space<vmem>>, vector<16xf32>,
    tpu.vector_store %arg5[%swap3A_134], %broadcast_in_dim3A_8 {strides = array<i32>} : memref<1040xf32, #tpu.memory_space<vmem>>, vector<16xf32>,
    %swap3A_136 = arith.constant 1024 : index
    %swap3A_137 = tpu.vector_load %arg5[%swap3A_136] {strides = array<i32>} : memref<1040xf32, #tpu.memory_space<vmem>>, vector<16xf32>,
    tpu.vector_store %arg5[%swap3A_136], %broadcast_in_dim3A_8 {strides = array<i32>} : memref<1040xf32, #tpu.memory_space<vmem>>, vector<16xf32>,
    %scan3A = arith.constant 0 : i32
    %scan3A_138 = arith.constant 0 : i32
    %scan3A_139 = arith.constant 32 : i32
    %scan3A_140 = arith.addi %scan3A_138, %scan3A_139 : i32
    %scan3A_141 = arith.constant 1 : i32
    scf.for %scan3A_143 = %scan3A_138 to %scan3A_140 step %scan3A_141  : i32 {
      %mul3A_144 = arith.constant 16 : i32
      %mul3A_145 = arith.muli %scan3A_143, %mul3A_144 : i32
      %add3A_146 = vector.broadcast %mul3A_145 : i32 to vector<16xi32>
      %add3A_147 = arith.addi %iota3A, %add3A_146 : vector<16xi32>
      %parallel_loop3A = arith.constant 0 : i32
      %parallel_loop3A_148 = arith.constant 200 : i32
      %parallel_loop3A_149 = arith.constant 1 : i32
      scf.for %parallel_loop3A_150 = %parallel_loop3A to %parallel_loop3A_148 step %parallel_loop3A_149  : i32 {
        %parallel_loop3A_151 = vector.broadcast %parallel_loop3A_150 : i32 to vector<16xi32>
        %parallel_loop3A_152 = tpu.vector_load_idx %arg4[%parallel_loop3A_151, %add3A_147] : memref<200x512xi32, #tpu.memory_space<vmem>>[vector<16xi32>, vector<16xi32>], vector<16xi32>,
        %parallel_loop3A_153 = arith.addi %mul3A_5, %parallel_loop3A_152 : vector<16xi32>
        tpu.vector_store_idx %arg5[%parallel_loop3A_153], %broadcast_in_dim3A_6 {add = true} : memref<1040xf32, #tpu.memory_space<vmem>>[vector<16xi32>], vector<16xf32>,
      } {sc.loop_unroll_factor = 8 : i64, sc.parallel_access}
    }
    %scan3A_142 = arith.constant 32 : i32
    "tpu.region"() ({
      %run_scoped3A = tpu.sem_alloc : memref<!tpu.dma_semaphore, #tpu.memory_space<semaphore_mem>>
      %dma_start3A = arith.constant 0 : i32
      %dma_start3A_143 = tpu.memref_slice %arg3[%dma_start3A, %mul3A_2] : memref<8x16384xf32, #tpu.memory_space<hbm>> -> memref<6x512xf32, #tpu.memory_space<hbm>>
      %dma_start3A_144 = arith.constant 0 : i32
      %dma_start3A_145 = tpu.memref_slice %arg3[%dma_start3A_144, %mul3A_2] : memref<8x16384xf32, #tpu.memory_space<hbm>> -> memref<6x512xf32, #tpu.memory_space<hbm>>
      tpu.enqueue_dma source(%arg6 : memref<6x512xf32, #tpu.memory_space<vmem>>) target(%dma_start3A_145 : memref<6x512xf32, #tpu.memory_space<hbm>>) target_semaphore(%run_scoped3A : memref<!tpu.dma_semaphore, #tpu.memory_space<semaphore_mem>>)
      %dma_wait3A = arith.constant 0 : i32
      %dma_wait3A_146 = tpu.memref_slice %arg3[%dma_wait3A, %mul3A_2] : memref<8x16384xf32, #tpu.memory_space<hbm>> -> memref<6x512xf32, #tpu.memory_space<hbm>>
      %dma_wait3A_147 = arith.constant 0 : i32
      %dma_wait3A_148 = tpu.memref_slice %arg3[%dma_wait3A_147, %mul3A_2] : memref<8x16384xf32, #tpu.memory_space<hbm>> -> memref<6x512xf32, #tpu.memory_space<hbm>>
      tpu.wait_dma2 semaphore(%run_scoped3A : memref<!tpu.dma_semaphore, #tpu.memory_space<semaphore_mem>>) src(%arg6 : memref<6x512xf32, #tpu.memory_space<vmem>>) dst(%dma_wait3A_148 : memref<6x512xf32, #tpu.memory_space<hbm>>)
      tpu.yield
    }) : () -> ()
    return
  }
}

</mosaic_0001>

<sc_bundles>
// kernel: _analyze.3.cloned.1.call-start
scs
__scs_entry_jumppad:
0x0: {  	(pc) =	sbr.rel $0x88, $3  }
0x1: {  	(tag) =	ssettag $0x0;
	lr =	simm.s32 $0x1  }
0x2: {  	[smem:$0x3FA0] =	sst lr;
	_ =	strace $0xD0000000  }
0x3: {  	_ = 	snop  }
0x4: {  	_ = 	snop  }
0x5: {  	_ = 	snop  }
0x6: {  	_ = 	snop  }
0x7: {  	_ = 	snop  }
__scs_overlays_trampoline_lowered:
0x8: {  	[smem:$0x3FAF] =	sst s0  }
0x9: {  	[smem:$0x3FB0] =	sst s1  }
0xa: {  	[smem:$0x3FB1] =	sst s2  }
0xb: {  	[smem:$0x3FB2] =	sst s3  }
0xc: {  	[smem:$0x3FB3] =	sst s4  }
0xd: {  	[smem:$0x3FB4] =	sst s5  }
0xe: {  	[smem:$0x3FB5] =	sst s6  }
0xf: {  	[smem:$0x3FB6] =	sst s7  }
0x10: {  	[smem:$0x3FB7] =	sst s8  }
0x11: {  	[smem:$0x3FB8] =	sst s9;
	s0 =	simm.s32 @!p0 $0x0  }
0x12: {  	s1 =	sld [smem:$0x3F9E];
	s0 =	simm.s32 @p0 $0x1  }
0x13: {  	[smem:$0x3FB9] =	sst s0;
	s0 =	simm.s32 @!p1 $0x0  }
0x14: {  	s2 =	sld [smem:$0x3F9D];
	s0 =	simm.s32 @p1 $0x1  }
0x15: {  	[smem:$0x3FBA] =	sst s0;
	s0 =	simm.s32 @!p2 $0x0  }
0x16: {  	s3 =	sld [smem:$0x3FDB];
	s0 =	simm.s32 @p2 $0x1  }
0x17: {  	s4 =	simm.s32 $0x1BF5;
	[smem:$0x3FBC] =	sst s0  }
0x18: {  	s0 =	sld [smem:$0x3F9F];
	_ =	swait.ge [sflag:s4], $0x0  }
0x19: {  	s7 =	sld [smem:$0x3FA0]  }
0x1a: {  	s8 =	sadd.s32 $0xFFFFE003, lr  }
0x1b: {  	s9 =	sadd.s32 $0xFFFFFEF7, lr;
	s5 =	simm.s32 $0xFFFFFFFF;
	p2 =	slt.u32 s8, $0xFFFFF086  }
0x1c: {  	p1 =	slt.u32 s9, $0xF7A;
	s5 =	simm.s32 @!p2 $0x0  }
0x1d: {  	s5 =	simm.s32 @p1 $0x1;
	p0 =	seq.s32 s7, s2  }
0x1e: {  	s7 =	smul.u32 @!p0 $0xF7A, s2;
	p2 =	seq.s32 @!p0 s5, $0x0  }
0x1f: {  	s9 =	smul.u32 $0xF7A, s1;
	s8 =	simm.s32 @!p0 $0x1BF5;
	p2 =	por !p2, p0  }
0x20: {  	[sflag:s8] =	ssyncset.s32 @!p0 $0xFFFFF086;
	s6 =	sadd.s32 @!p0 s3, s7;
	s7 =	simm.s32 @!p0 $0x108  }
0x21: {  	s3 =	sadd.s32 s3, s9;
	s6 =	sadd.s32 @!p0 $0x88, s6;
	s7 =	simm.s32 @p2 $0x1082  }
0x22: {  	[simem:s7], [sflag:s8] =	dma.local @!p0 [hbm:s6], $0xF7A  }
0x23: {  	s9 =	sor.u32 $0xD0000000, s2;
	s6 =	simm.s32 $0x108;
	_ =	swait.ge @!p0 [sflag:s8], $0x0  }
0x24: {  	s3 =	sadd.s32 $0x88, s3;
	s6 =	simm.s32 @!p1 $0x1082;
	[sflag:s4] =	ssyncset.s32 $0xFFFFF086  }
0x25: {  	[simem:s6], [sflag:s4] =	dma.local [hbm:s3], $0xF7A  }
0x26: {  	[smem:$0x3FA0] =	sst s1;
	(tag) =	ssettag s2;
	_ =	strace s9  }
0x27: {  	s1 =	sld [smem:$0x3FB0]  }
0x28: {  	s2 =	sld [smem:$0x3FB1]  }
0x29: {  	s4 =	sld [smem:$0x3FB3]  }
0x2a: {  	p0 =	seq.s32 s5, $0x0;
	s5 =	sld [smem:$0x3FB4]  }
0x2b: {  	s6 =	sld [smem:$0x3FB5]  }
0x2c: {  	s7 =	sld [smem:$0x3FB6]  }
0x2d: {  	s3 =	simm.s32 $0x108;
	s8 =	sld [smem:$0x3FB7]  }
0x2e: {  	s3 =	simm.s32 @!p0 $0x1082;
	s9 =	sld [smem:$0x3FB8]  }
0x2f: {  	lr =	sadd.s32 s0, s3;
	s0 =	sld [smem:$0x3FAF]  }
0x30: {  	s3 =	sld [smem:$0x3FB2]  }
0x31: {  	[smem:$0x3FBB] =	sst s10  }
0x32: {  	s10 =	sld [smem:$0x3FB9];
	_ =	sdelay $0x3  }
0x33: {  	p0 =	seq.s32 s10, $0x1;
	s10 =	sld [smem:$0x3FBB];
	_ =	sdelay $0x3  }
0x34: {  	[smem:$0x3FBB] =	sst s10  }
0x35: {  	s10 =	sld [smem:$0x3FBA];
	_ =	sdelay $0x3  }
0x36: {  	p1 =	seq.s32 s10, $0x1;
	s10 =	sld [smem:$0x3FBB];
	_ =	sdelay $0x3  }
0x37: {  	[smem:$0x3FBB] =	sst s10  }
0x38: {  	s10 =	sld [smem:$0x3FBC]  }
0x39: {  	_ = 	snop;
	(pc) =	sbr.ind lr, $3  }
0x3a: {  	_ = 	snop  }
0x3b: {  	_ = 	snop  }
0x3c: {  	p2 =	seq.s32 s10, $0x1;
	s10 =	sld [smem:$0x3FBB]  }
0x3d: {  	_ =	shalt  }
0x3e: {  	_ =	shalt  }
0x3f: {  	_ =	shalt  }
0x40: {  	_ =	shalt  }
0x41: {  	_ =	shalt  }
0x42: {  	_ =	shalt  }
0x43: {  	_ =	shalt  }
0x44: {  	_ =	shalt  }
0x45: {  	_ =	shalt  }
0x46: {  	_ =	shalt  }
0x47: {  	_ =	shalt  }
0x48: {  	_ =	shalt  }
0x49: {  	_ =	shalt  }
0x4a: {  	_ =	shalt  }
0x4b: {  	_ =	shalt  }
0x4c: {  	_ =	shalt  }
0x4d: {  	_ =	shalt  }
0x4e: {  	_ =	shalt  }
0x4f: {  	_ =	shalt  }
0x50: {  	_ =	shalt  }
0x51: {  	_ =	shalt  }
0x52: {  	_ =	shalt  }
0x53: {  	_ =	shalt  }
0x54: {  	_ =	shalt  }
0x55: {  	_ =	shalt  }
0x56: {  	_ =	shalt  }
0x57: {  	_ =	shalt  }
0x58: {  	_ =	shalt  }
0x59: {  	_ =	shalt  }
0x5a: {  	_ =	shalt  }
0x5b: {  	_ =	shalt  }
0x5c: {  	_ =	shalt  }
0x5d: {  	_ =	shalt  }
0x5e: {  	_ =	shalt  }
0x5f: {  	_ =	shalt  }
0x60: {  	_ =	shalt  }
0x61: {  	_ =	shalt  }
0x62: {  	_ =	shalt  }
0x63: {  	_ =	shalt  }
0x64: {  	_ =	shalt  }
0x65: {  	_ =	shalt  }
0x66: {  	_ =	shalt  }
0x67: {  	_ =	shalt  }
0x68: {  	_ =	shalt  }
0x69: {  	_ =	shalt  }
0x6a: {  	_ =	shalt  }
0x6b: {  	_ =	shalt  }
0x6c: {  	_ =	shalt  }
0x6d: {  	_ =	shalt  }
0x6e: {  	_ =	shalt  }
0x6f: {  	_ =	shalt  }
0x70: {  	_ =	shalt  }
0x71: {  	_ =	shalt  }
0x72: {  	_ =	shalt  }
0x73: {  	_ =	shalt  }
0x74: {  	_ =	shalt  }
0x75: {  	_ =	shalt  }
0x76: {  	_ =	shalt  }
0x77: {  	_ =	shalt  }
0x78: {  	_ =	shalt  }
0x79: {  	_ =	shalt  }
0x7a: {  	_ =	shalt  }
0x7b: {  	_ =	shalt  }
0x7c: {  	_ =	shalt  }
0x7d: {  	_ =	shalt  }
0x7e: {  	_ =	shalt  }
0x7f: {  	_ =	shalt  }
0x80: {  	_ =	shalt  }
0x81: {  	_ =	shalt  }
0x82: {  	_ =	shalt  }
0x83: {  	_ =	shalt  }
0x84: {  	_ =	shalt  }
0x85: {  	_ =	shalt  }
0x86: {  	_ =	shalt  }
0x87: {  	_ =	shalt  }
.Lfunc_end0:
.L_simem_size_0:
called_computation_lowered:
.L_overlay_start_0:
0x88: {  	s2 =	sld [smem:$0x3FD9]  }
0x89: {  	s3 =	sld [smem:$0x3FFE];
	_ =	sdelay $0x1  }
0x8a: {  	s1 =	srdreg.scid  }
0x8b: {  	s0 =	sand.u32 $0x1, s1  }
0x8c: {  	s17 =	sshll.u32 s0, $0xA;
	s2 =	sadd.s32 s3, s2  }
0x8d: {  	s2 =	sadd.s32 s2, s17  }
0x8e: {  	[smem:$0x3FC7] =	sst s2  }
0x8f: {  	_ = 	snop  }
0x90: {  	s2 =	sld [smem:$0x3FC9];
	(tm) =	ssettm $0x1  }
0x91: {  	s18 =	sld [smem:$0x3FFB];
	_ =	sdelay $0x3  }
0x92: {  	_ =	strace s18  }
0x93: {  	s3 =	sld [smem:$0x3FFC];
	_ =	sdelay $0x3  }
0x94: {  	_ =	strace s3  }
0x95: {  	s3 =	sld [smem:$0x3FFD];
	_ =	sdelay $0x3  }
0x96: {  	_ =	strace s3  }
0x97: {  	_ =	strace $0x8FFFFFFF  }
0x98: {  	s19 =	sld [smem:$0x3FDB];
	_ =	sdelay $0x1  }
0x99: {  	s4 =	simm.s32 $_scs_section_size  }
0x9a: {  	s5 =	simm.s32 $_size__tile_overlayer_lowered;
	s6 =	simm.s32 $_tile_overlayer_lowered  }
0x9b: {  	s22 =	simm.s32 $0x1BFF;
	s21 =	sshll.u32 s6, $0x1;
	s3 =	sadd.s32 s4, s19  }
0x9c: {  	s7 =	simm.s32 $0x0;
	s20 =	sshll.u32 s5, $0x1;
	s5 =	sadd.s32 s21, s3  }
0x9d: {  	[timem:s7], [sflag:s22] =	dma.local [hbm:s5], s20  }
0x9e: {  	_ =	swait.ge [sflag:s22], s20  }
0x9f: {  	s4 =	ssub.s32 $0x0, s20;
	[sflag:s22] =	ssyncset.done $0x0  }
0xa0: {  	[sflag:s22] =	ssyncadd.s32 s4;
	_ =	sdelay $0x1  }
0xa1: {  	s23 =	simm.s32 $0x1B8B  }
0xa2: {  	_ =	swait.ge [sflag:s23], $0x1  }
0xa3: {  	[sflag:s23] =	ssyncset.done $0x0  }
0xa4: {  	s25 =	simm.s32 $0x1B8E;
	s24 =	sld [smem:$0x3FFE];
	[sflag:s23] =	ssyncadd.s32 $0xFFFFFFFF  }
0xa5: {  	s26 =	simm.s32 $execute0_lowered;
	[smem:$0x3FD2] =	sst s25  }
0xa6: {  	s5 =	sshll.u32 s26, $0x1;
	_ =	strace $0x80000046;
	[dreg:$0x1] =	wrdreg $0xFFFFFFFF  }
0xa7: {  	s28 =	simm.s32 $_size_execute0_lowered;
	s3 =	sadd.s32 s3, s5;
	[dreg:$0x0] =	wrdreg $0x0  }
0xa8: {  	s5 =	sshll.u32 s28, $0x1;
	[dreg:$0x2] =	wrdreg s3  }
0xa9: {  	[dreg:$0x3] =	wrdreg s5  }
0xaa: {  	[dreg:$0x4] =	wrdreg $0xC0  }
0xab: {  	_ =	task [dreg:s7], $0x5FFFF  }
0xac: {  	[dreg:$0x1] =	wrdreg $0xFFFFFFFF  }
0xad: {  	[dreg:$0x0] =	wrdreg $0x60  }
0xae: {  	[dreg:$0x2] =	wrdreg s2  }
0xaf: {  	[dreg:$0x3] =	wrdreg s24  }
0xb0: {  	[dreg:$0x4] =	wrdreg $0x9  }
0xb1: {  	_ =	task.clear_ibuf [dreg:s7], $0x5FFFF;
	_ =	strace $0x90000046  }
0xb2: {  	s29 =	simm.s32 $0x9;
	_ =	strace $0x80000048  }
0xb3: {  	_ =	swait.ge [sflag:s29], $0x1  }
0xb4: {  	[sflag:s29] =	ssyncadd.s32 $0xFFFFFFFF  }
0xb5: {  	_ =	strace $0x90000048  }
0xb6: {  	_ =	sfence  }
0xb7: {  	s30 =	sld [smem:$0x0];
	_ =	sdelay $0x2  }
0xb8: {  	s31 =	sshll.u32 s1, $0xD;
	s1 =	sshrl.u32 s1, $0x2  }
0xb9: {  	s3 =	sand.u32 $0x4000, s31;
	s1 =	sadd.s32 s1, s30  }
0xba: {  	s0 =	sor.u32 s3, s0;
	s1 =	sshll.u32 s1, $0x11  }
0xbb: {  	s0 =	sor.u32 s1, s0  }
0xbc: {  	s0 =	sadd.s32 $0x8F2B, s0  }
0xbd: {  	[sflag:s0] =	ssyncadd.remote.s32 $0x1  }
0xbe: {  	_ =	sfence.sel $0xFFFF  }
0xbf: {  	[dreg:$0x0] =	wrdreg $0xFFFFFFFF;
	(pc) =	sbr.abs _section_cstart, $3  }
0xc0: {  	[dreg:$0x1] =	wrdreg $0xFFFFFFFF  }
0xc1: {  	_ =	task.clear_ibuf [dreg:s7], $0x2FFFF;
	_ =	strace $0x9FFFFFFF  }
0xc2: {  	(tm) =	ssettm $0x7FFFFFFF  }
0xc3: {  	_ =	shalt  }
tec
execute0_lowered:
.L_overlay_start_1:
0x0: {  	(tag) =	ssettag $0x1  }
0x1: {  	s3 =	rddreg [dreg:$0x0]  }
0x2: {  	s4 =	rddreg [dreg:$0x1]  }
0x3: {  	s0 =	rddreg [dreg:$0x2];
	s2 =	simm.s32 $0x0;
	s5 =	srdreg.scid  }
0x4: {  	s1 =	stileid.u32;
	s8 =	simm.s32 $0x1;
	s9 =	simm.s32 $0x19000  }
0x5: {  	s10 =	simm.s32 $0x400;
	s11 =	simm.s32 $0x19480;
	s13 =	simm.s32 $0x19880  }
0x6: {  	s15 =	simm.s32 $0x19C80;
	s17 =	simm.s32 $0x1A080;
	s18 =	simm.s32 $0x0  }
0x7: {  	[smem:$0x7FF] =	sst s2;
	s5 =	sand.u32 $0x1, s5;
	s6 =	sshll.u32 s1, $0xA  }
0x8: {  	s7 =	sshll.u32 s5, $0x9;
	s5 =	ssub.s32 $0x2, s5;
	_ =	strace $0x80000047  }
0x9: {  	s6 =	sor.u32 s7, s6;
	s31 =	sshrl.u32 s5, $0x1;
	s7 =	simm.s32 $0x20000  }
0xa: {  	v1 =	vlaneseq.u32;
	s4 =	sadd.s32 s6, s4;
	s5 =	ssub.s32 s5, s31;
	s3 =	sadd.s32 s3, s6  }
0xb: {  	v2 =	vimm.s32 $0x0;
	vm0 =	vcmask $0x300;
	v3 =	vmul.u32 $0x41, v1;
	s6 =	simm.s32 $0x1000;
	s4 =	sadd.s32 $0x400, s4;
	s5 =	smax.u32 s5, $0x1  }
0xc: {  	v0 =	vimm.f32 $0.0e+00;
	v4 =	vimm.f32 $1.000000000e+00;
	v2 =	vsel vm0, $0xC, v2;
	s12 =	sadd.s32 $0x80, s4;
	s14 =	sadd.s32 $0x100, s4;
	s16 =	sadd.s32 $0x180, s4  }
.LBB2_1:
0xd: {  	[tilespmem:s2], [sflag:$0x1] =	stream.strided.gather [hbm4b:s3+s6], $0x19000, s7, s6, $0x38;
	[tilespmem:$0x1A480] =	vst v63  }
0xe: {  	_ =	swait.ge [sflag:s8], $0x19000  }
0xf: {  	[sflag:s8] =	ssyncset.done $0x0  }
0x10: {  	[sflag:s8] =	ssyncadd.s32 $0xFFFE7000  }
0x11: {  	[tilespmem:$0x19000] =	vst v0  }
0x12: {  	[tilespmem:$0x19010] =	vst v0  }
0x13: {  	[tilespmem:$0x19020] =	vst v0  }
0x14: {  	[tilespmem:$0x19030] =	vst v0  }
0x15: {  	[tilespmem:$0x19040] =	vst v0  }
0x16: {  	[tilespmem:$0x19050] =	vst v0  }
0x17: {  	[tilespmem:$0x19060] =	vst v0  }
0x18: {  	[tilespmem:$0x19070] =	vst v0  }
0x19: {  	[tilespmem:$0x19080] =	vst v0  }
0x1a: {  	[tilespmem:$0x19090] =	vst v0  }
0x1b: {  	[tilespmem:$0x190A0] =	vst v0  }
0x1c: {  	[tilespmem:$0x190B0] =	vst v0  }
0x1d: {  	[tilespmem:$0x190C0] =	vst v0  }
0x1e: {  	[tilespmem:$0x190D0] =	vst v0  }
0x1f: {  	[tilespmem:$0x190E0] =	vst v0  }
0x20: {  	[tilespmem:$0x190F0] =	vst v0  }
0x21: {  	[tilespmem:$0x19100] =	vst v0  }
0x22: {  	[tilespmem:$0x19110] =	vst v0  }
0x23: {  	[tilespmem:$0x19120] =	vst v0  }
0x24: {  	[tilespmem:$0x19130] =	vst v0  }
0x25: {  	[tilespmem:$0x19140] =	vst v0  }
0x26: {  	[tilespmem:$0x19150] =	vst v0  }
0x27: {  	[tilespmem:$0x19160] =	vst v0  }
0x28: {  	[tilespmem:$0x19170] =	vst v0  }
0x29: {  	[tilespmem:$0x19180] =	vst v0  }
0x2a: {  	[tilespmem:$0x19190] =	vst v0  }
0x2b: {  	[tilespmem:$0x191A0] =	vst v0  }
0x2c: {  	[tilespmem:$0x191B0] =	vst v0  }
0x2d: {  	[tilespmem:$0x191C0] =	vst v0  }
0x2e: {  	[tilespmem:$0x191D0] =	vst v0  }
0x2f: {  	[tilespmem:$0x191E0] =	vst v0  }
0x30: {  	[tilespmem:$0x191F0] =	vst v0  }
0x31: {  	[tilespmem:$0x19200] =	vst v0  }
0x32: {  	[tilespmem:$0x19210] =	vst v0  }
0x33: {  	[tilespmem:$0x19220] =	vst v0  }
0x34: {  	[tilespmem:$0x19230] =	vst v0  }
0x35: {  	[tilespmem:$0x19240] =	vst v0  }
0x36: {  	[tilespmem:$0x19250] =	vst v0  }
0x37: {  	[tilespmem:$0x19260] =	vst v0  }
0x38: {  	[tilespmem:$0x19270] =	vst v0  }
0x39: {  	[tilespmem:$0x19280] =	vst v0  }
0x3a: {  	[tilespmem:$0x19290] =	vst v0  }
0x3b: {  	[tilespmem:$0x192A0] =	vst v0  }
0x3c: {  	[tilespmem:$0x192B0] =	vst v0  }
0x3d: {  	[tilespmem:$0x192C0] =	vst v0  }
0x3e: {  	[tilespmem:$0x192D0] =	vst v0  }
0x3f: {  	[tilespmem:$0x192E0] =	vst v0  }
0x40: {  	[tilespmem:$0x192F0] =	vst v0  }
0x41: {  	[tilespmem:$0x19300] =	vst v0  }
0x42: {  	[tilespmem:$0x19310] =	vst v0  }
0x43: {  	[tilespmem:$0x19320] =	vst v0  }
0x44: {  	[tilespmem:$0x19330] =	vst v0  }
0x45: {  	[tilespmem:$0x19340] =	vst v0  }
0x46: {  	[tilespmem:$0x19350] =	vst v0  }
0x47: {  	[tilespmem:$0x19360] =	vst v0  }
0x48: {  	[tilespmem:$0x19370] =	vst v0  }
0x49: {  	[tilespmem:$0x19380] =	vst v0  }
0x4a: {  	[tilespmem:$0x19390] =	vst v0  }
0x4b: {  	[tilespmem:$0x193A0] =	vst v0  }
0x4c: {  	[tilespmem:$0x193B0] =	vst v0  }
0x4d: {  	[tilespmem:$0x193C0] =	vst v0  }
0x4e: {  	[tilespmem:$0x193D0] =	vst v0  }
0x4f: {  	[tilespmem:$0x193E0] =	vst v0  }
0x50: {  	[tilespmem:$0x193F0] =	vst v0  }
0x51: {  	s19 =	simm.s32 $0x0;
	[tilespmem:$0x19400] =	vst v0  }
.LBB2_2:
0x52: {  	s20 =	sshll.u32 s19, $0x4  }
0x53: {  	s31 =	simm.s32 $0x0;
	v5 =	vmov s20;
	v6 =	vor.u32 s20, v1  }
0x54: {  	v11 =	vmov s31;
	s20 =	simm.s32 $0x8;
	v7 =	vshll.u32 v5, $0x3;
	v5 =	vand.u32 $0x7F, v6  }
0x55: {  	v13 =	vshrl.u32 v11, $0x3;
	v22 =	vmov s20;
	v6 =	vand.u32 $0xC00, v7  }
0x56: {  	v14 =	vshll.u32 v13, v2;
	v22 =	vshrl.u32 v22, $0x3;
	v12 =	vor.u32 $0x300, v6  }
0x57: {  	v7 =	vor.u32 $0x80, v6;
	v8 =	vor.u32 $0x100, v6;
	v16 =	vor.u32 v12, v14  }
0x58: {  	v9 =	vor.u32 $0x180, v6;
	v17 =	vor.u32 v7, v14;
	v16 =	vbroadcast v16, $0x0  }
0x59: {  	v10 =	vor.u32 $0x200, v6;
	v15 =	vor.u32 v8, v14;
	v17 =	vbroadcast v17, $0x0  }
0x5a: {  	v20 =	vor.u32 v10, v14;
	v15 =	vbroadcast v15, $0x0;
	v16 =	vor.u32 v5, v16  }
0x5b: {  	v11 =	vor.u32 $0x280, v6;
	v20 =	vbroadcast v20, $0x0;
	v17 =	vor.u32 v5, v17  }
0x5c: {  	v13 =	vor.u32 $0x380, v6;
	v18 =	vor.u32 v9, v14;
	v15 =	vor.u32 v5, v15  }
0x5d: {  	v19 =	vor.u32 v13, v14;
	v18 =	vbroadcast v18, $0x0;
	v20 =	vor.u32 v5, v20  }
0x5e: {  	v21 =	vor.u32 v11, v14;
	v14 =	vor.u32 v6, v14;
	v19 =	vbroadcast v19, $0x0  }
0x5f: {  	v22 =	vshll.u32 v22, v2;
	v14 =	vbroadcast v14, $0x0;
	v18 =	vor.u32 v5, v18;
	v16 =	vld.idx.msk [tilespmem:v16+s2+$0x0], $0xffff  }
0x60: {  	v23 =	vor.u32 v7, v22;
	v21 =	vbroadcast v21, $0x0;
	v19 =	vor.u32 v5, v19;
	v24 =	vld.idx.msk [tilespmem:v17+s2+$0x0], $0xffff  }
0x61: {  	v23 =	vbroadcast v23, $0x0;
	v14 =	vor.u32 v5, v14;
	v17 =	vor.u32 v13, v22;
	v26 =	vld.idx.msk [tilespmem:v15+s2+$0x0], $0xffff  }
0x62: {  	v21 =	vor.u32 v5, v21;
	v25 =	vld.idx.msk [tilespmem:v20+s2+$0x0], $0xffff;
	v15 =	vbroadcast v17, $0x0  }
0x63: {  	v27 =	vor.u32 v5, v23;
	v23 =	vor.u32 v9, v22  }
0x64: {  	v32 =	vbroadcast v23, $0x0;
	v18 =	vld.idx.msk [tilespmem:v18+s2+$0x0], $0xffff;
	v17 =	vor.u32 v8, v22;
	v29 =	vor.u32 v5, v15  }
0x65: {  	v20 =	vbroadcast v17, $0x0;
	v17 =	vld.idx.msk [tilespmem:v19+s2+$0x0], $0xffff;
	v19 =	vor.u32 v12, v22;
	v30 =	vadd.s32 v3, v16  }
0x66: {  	v23 =	vld.idx.msk [tilespmem:v14+s2+$0x0], $0xffff;
	v15 =	vor.u32 v10, v22;
	v31 =	vbroadcast v19, $0x0;
	v28 =	vadd.s32 v3, v26  }
0x67: {  	v19 =	vld.idx.msk [tilespmem:v21+s2+$0x0], $0xffff;
	v16 =	vbroadcast v15, $0x0;
	v15 =	vor.u32 v11, v22;
	v25 =	vadd.s32 v3, v25  }
0x68: {  	v33 =	vor.u32 v6, v22;
	v20 =	vor.u32 v5, v20;
	v21 =	vbroadcast v15, $0x0;
	v15 =	vld.idx.msk [tilespmem:v27+s2+$0x0], $0xffff  }
0x69: {  	v27 =	vor.u32 v5, v31;
	v22 =	vor.u32 v5, v16;
	v16 =	vadd.s32 v3, v18;
	v18 =	vld.idx.msk [tilespmem:v29+s2+$0x0], $0xffff  }
0x6a: {  	v14 =	vadd.s32 v3, v24;
	v26 =	vbroadcast v33, $0x0;
	v24 =	vor.u32 v5, v32;
	[tilespmem:v30+s9+$0x0] =	vst.idx.add.f32.msk $0xffff, v4  }
.LBB2_3:
0x6b: {  	s20 =	sadd.s32 $0x8, s20;
	[tilespmem:v28+s9+$0x0] =	vst.idx.add.f32.msk $0xffff, v4;
	v28 =	vadd.s32 v3, v17  }
0x6c: {  	v23 =	vadd.s32 v3, v23;
	v19 =	vadd.s32 v3, v19;
	v17 =	vmov s20;
	p0 =	slt.u32 s20, $0xC0;
	[tilespmem:v25+s9+$0x0] =	vst.idx.add.f32.msk $0xffff, v4  }
0x6d: {  	v17 =	vshrl.u32 v17, $0x3;
	v29 =	vld.idx.msk [tilespmem:v20+s2+$0x0], $0xffff  }
0x6e: {  	v26 =	vor.u32 v5, v26;
	v25 =	vshll.u32 v17, v2;
	v27 =	vld.idx.msk [tilespmem:v27+s2+$0x0], $0xffff  }
0x6f: {  	v21 =	vor.u32 v5, v21;
	v20 =	vor.u32 v7, v25;
	v33 =	vor.u32 v8, v25;
	v22 =	vld.idx.msk [tilespmem:v22+s2+$0x0], $0xffff  }
0x70: {  	v31 =	vor.u32 v9, v25;
	v32 =	vor.u32 v13, v25;
	v30 =	vbroadcast v33, $0x0;
	v24 =	vld.idx.msk [tilespmem:v24+s2+$0x0], $0xffff;
	v17 =	vmovc v18  }
0x71: {  	v18 =	vbroadcast v20, $0x0;
	v20 =	vor.u32 v10, v25;
	v32 =	vbroadcast v32, $0x0;
	[tilespmem:v23+s9+$0x0] =	vst.idx.add.f32.msk $0xffff, v4  }
0x72: {  	v33 =	vbroadcast v20, $0x0;
	v23 =	vor.u32 v11, v25;
	v20 =	vor.u32 v12, v25;
	[tilespmem:v19+s9+$0x0] =	vst.idx.add.f32.msk $0xffff, v4  }
0x73: {  	v18 =	vor.u32 v5, v18;
	v34 =	vbroadcast v20, $0x0;
	v32 =	vor.u32 v5, v32;
	[tilespmem:v28+s9+$0x0] =	vst.idx.add.f32.msk $0xffff, v4  }
0x74: {  	v20 =	vor.u32 v5, v30;
	v30 =	vbroadcast v31, $0x0;
	v31 =	vadd.s32 v3, v27;
	v19 =	vld.idx.msk [tilespmem:v21+s2+$0x0], $0xffff  }
0x75: {  	v27 =	vor.u32 v6, v25;
	v21 =	vbroadcast v23, $0x0;
	v25 =	vadd.s32 v3, v22;
	v23 =	vld.idx.msk [tilespmem:v26+s2+$0x0], $0xffff  }
.Ltmp0:
0x76: {  	v15 =	vadd.s32 v3, v15;
	v28 =	vadd.s32 v3, v29;
	v26 =	vbroadcast v27, $0x0;
	[tilespmem:v16+s9+$0x0] =	vst.idx.add.f32.msk $0xffff, v4;
	(pc) =	sbr.rel @p0 .LBB2_3-.Ltmp0, $4  }
0x77: {  	v22 =	vor.u32 v5, v33;
	v16 =	vadd.s32 v3, v24;
	[tilespmem:v14+s9+$0x0] =	vst.idx.add.f32.msk $0xffff, v4;
	v14 =	vmov v15  }
0x78: {  	v27 =	vor.u32 v5, v34;
	v15 =	vld.idx.msk [tilespmem:v18+s2+$0x0], $0xffff  }
0x79: {  	v18 =	vld.idx.msk [tilespmem:v32+s2+$0x0], $0xffff  }
0x7a: {  	v24 =	vor.u32 v5, v30;
	[tilespmem:v31+s9+$0x0] =	vst.idx.add.f32.msk $0xffff, v4  }
0x7b: {  	_ =	sdelay $0x3  }
0x7c: {  	[tilespmem:v28+s9+$0x0] =	vst.idx.add.f32.msk $0xffff, v4  }
0x7d: {  	[tilespmem:v25+s9+$0x0] =	vst.idx.add.f32.msk $0xffff, v4  }
0x7e: {  	v7 =	vld.idx.msk [tilespmem:v20+s2+$0x0], $0xffff  }
0x7f: {  	v6 =	vor.u32 v5, v26;
	v9 =	vld.idx.msk [tilespmem:v27+s2+$0x0], $0xffff  }
0x80: {  	v5 =	vor.u32 v5, v21;
	v11 =	vld.idx.msk [tilespmem:v22+s2+$0x0], $0xffff  }
0x81: {  	v8 =	vadd.s32 v3, v23;
	v13 =	vld.idx.msk [tilespmem:v24+s2+$0x0], $0xffff  }
0x82: {  	v10 =	vadd.s32 v3, v19;
	[tilespmem:v16+s9+$0x0] =	vst.idx.add.f32.msk $0xffff, v4  }
0x83: {  	v12 =	vadd.s32 v3, v17;
	[tilespmem:v14+s9+$0x0] =	vst.idx.add.f32.msk $0xffff, v4  }
0x84: {  	v62 =	vadd.s32 v3, v18;
	v6 =	vld.idx.msk [tilespmem:v6+s2+$0x0], $0xffff  }
0x85: {  	v5 =	vld.idx.msk [tilespmem:v5+s2+$0x0], $0xffff;
	v60 =	vadd.s32 v3, v9  }
0x86: {  	[tilespmem:v8+s9+$0x0] =	vst.idx.add.f32.msk $0xffff, v4;
	v7 =	vadd.s32 v3, v7  }
0x87: {  	[tilespmem:v10+s9+$0x0] =	vst.idx.add.f32.msk $0xffff, v4;
	v61 =	vadd.s32 v3, v11  }
0x88: {  	[tilespmem:v12+s9+$0x0] =	vst.idx.add.f32.msk $0xffff, v4;
	v63 =	vadd.s32 v3, v13  }
0x89: {  	[tilespmem:v62+s9+$0x0] =	vst.idx.add.f32.msk $0xffff, v4;
	v6 =	vadd.s32 v3, v6  }
0x8a: {  	s19 =	sadd.s32 $0x1, s19;
	v5 =	vadd.s32 v3, v5;
	[tilespmem:v60+s9+$0x0] =	vst.idx.add.f32.msk $0xffff, v4  }
0x8b: {  	p0 =	sne.s32 s19, $0x20;
	[tilespmem:v7+s9+$0x0] =	vst.idx.add.f32.msk $0xffff, v4;
	v7 =	vadd.s32 v3, v15  }
.Ltmp1:
0x8c: {  	[tilespmem:v61+s9+$0x0] =	vst.idx.add.f32.msk $0xffff, v4;
	(pc) =	sbr.rel @p0 .LBB2_2-.Ltmp1, $4  }
0x8d: {  	[tilespmem:v63+s9+$0x0] =	vst.idx.add.f32.msk $0xffff, v4  }
0x8e: {  	[tilespmem:v6+s9+$0x0] =	vst.idx.add.f32.msk $0xffff, v4  }
0x8f: {  	[tilespmem:v5+s9+$0x0] =	vst.idx.add.f32.msk $0xffff, v4  }
0x90: {  	[tilespmem:v7+s9+$0x0] =	vst.idx.add.f32.msk $0xffff, v4  }
0x91: {  	[hbm4b:s4+s6] =	stream.strided.scatter [tilespmem:s11], [sflag:$0x1], $0x0, s10, s6, $0x38;
	[tilespmem:$0x1A480] =	vst v63  }
0x92: {  	_ = 	snop  }
0x93: {  	[hbm4b:s4+s2] =	stream.linear.scatter [tilespmem:s11], [sflag:$0x1], $0x300, $0x38;
	[tilespmem:$0x1A480] =	vst v63  }
0x94: {  	s18 =	sadd.s32 $0x1, s18  }
0x95: {  	[hbm4b:s12+s2] =	stream.linear.scatter [tilespmem:s13], [sflag:$0x1], $0x300, $0x38;
	[tilespmem:$0x1A480] =	vst v63  }
0x96: {  	p0 =	sne.s32 s18, s5  }
0x97: {  	[hbm4b:s14+s2] =	stream.linear.scatter [tilespmem:s15], [sflag:$0x1], $0x300, $0x38;
	[tilespmem:$0x1A480] =	vst v63  }
.Ltmp2:
0x98: {  	_ = 	snop;
	(pc) =	sbr.rel @p0 .LBB2_1-.Ltmp2, $4  }
0x99: {  	[hbm4b:s16+s2] =	stream.linear.scatter [tilespmem:s17], [sflag:$0x1], $0x300, $0x38;
	[tilespmem:$0x1A480] =	vst v63  }
0x9a: {  	_ =	swait.ge [sflag:s8], $0xC00  }
0x9b: {  	[sflag:s8] =	ssyncset.done $0x0  }
0x9c: {  	[sflag:s8] =	ssyncadd.s32 $0xFFFFF400  }
0x9d: {  	_ =	sfence.sel $0x180000  }
0x9e: {  	[bflag:$0x0] =	sbarrier.arrive $0xFFFF  }
0x9f: {  	p0 =	sne.s32 s1, $0x0;
	_ =	strace $0x90000047  }
0xa0: {  	s0 =	sadd.s32 @!p0 $0x100000, s0;
	[bflag:$0x2] =	sbarrier.arrive $0xFFFF  }
0xa1: {  	[sflag:s0] =	ssyncadd.tile.s32 @!p0 $0x1;
	_ =	shalt  }
.Lfunc_end2:
_tile_overlayer_lowered:
.L_overlay_start_2:
0xa2: {  	(tag) =	ssettag $0x2  }
0xa3: {  	s0 =	rddreg [dreg:$0x0];
	s2 =	stileid.u32  }
0xa4: {  	s1 =	rddreg [dreg:$0x1];
	p0 =	sne.s32 s2, $0x0  }
0xa5: {  	s3 =	rddreg [dreg:$0x2];
	[bflag:$0x3] =	sbarrier.arrive $0xFFFF;
	s2 =	simm.s32 @!p0 $0x1C01  }
0xa6: {  	[timem:s3], [sflag:s2] =	dma.local @!p0 [hbm:s0], s1  }
0xa7: {  	s0 =	simm.s32 @!p0 $0x1  }
0xa8: {  	_ =	swait.ge @!p0 [sflag:s0], s1  }
0xa9: {  	s1 =	ssub.s32 @!p0 $0x0, s1;
	[sflag:s0] =	ssyncset.done @!p0 $0x0  }
0xaa: {  	[sflag:s0] =	ssyncadd.s32 @!p0 s1  }
0xab: {  	[bflag:$0x3] =	sbarrier.arrive $0xFFFF  }
0xac: {  	_ =	shalt  }

</sc_bundles>
